<compile_context>
chip_gen: v7x
topology: tpu7x:2x2x1
jax: 0.10.2.dev20260603
libtpu: 0.0.44.dev20260713+nightly
codegen_flags: <defaults>
</compile_context>

<pallas_src>
import functools

import jax
import jax.numpy as jnp
from jax import lax
from jax.experimental import pallas as pl
from jax.experimental.pallas import tpu as pltpu
from jax.experimental.pallas import tpu_sc as plsc

_NUM_WORKERS = 32
_LANES = 16


def _species_lookup_body(chunk, n, num_species, a_hbm, species_hbm,
                         out_hbm, a_v, out_v, spec_v, lut_v,
                         sem_s, sem_a0, sem_a1, sem_o0, sem_o1):
  wid = lax.axis_index("s") * 2 + lax.axis_index("c")
  is_last = wid == _NUM_WORKERS - 1
  base = jnp.minimum(wid * chunk, n - chunk)

  half = chunk // 2
  cp0 = pltpu.async_copy(a_hbm.at[pl.ds(base, half)],
                         a_v.at[pl.ds(0, half)], sem_a0)
  cp1 = pltpu.async_copy(a_hbm.at[pl.ds(base + half, half)],
                         a_v.at[pl.ds(half, half)], sem_a1)

  spec_v[...] = jnp.zeros((_LANES,), jnp.int32)
  cps = pltpu.async_copy(species_hbm, spec_v.at[pl.ds(0, num_species)],
                         sem_s)
  cps.wait()
  lane = lax.iota(jnp.int32, _LANES)
  plsc.store_scatter(lut_v, [spec_v[...]], lane, mask=lane < num_species)

  cp0.wait()

  @plsc.parallel_loop(0, half, _LANES, unroll=8)
  def _(off):
    out_v[pl.ds(off, _LANES)] = plsc.load_gather(lut_v,
                                                 [a_v[pl.ds(off, _LANES)]])

  skip = chunk - (n - (_NUM_WORKERS - 1) * chunk)

  @pl.when(jnp.logical_not(is_last))
  def _():
    pltpu.async_copy(out_v.at[pl.ds(0, half)],
                     out_hbm.at[pl.ds(base, half)], sem_o0)

  @pl.when(is_last)
  def _():
    pltpu.async_copy(out_v.at[pl.ds(skip, half - skip)],
                     out_hbm.at[pl.ds(base + skip, half - skip)], sem_o0)

  cp1.wait()

  @plsc.parallel_loop(half, chunk, _LANES, unroll=8)
  def _(off):
    out_v[pl.ds(off, _LANES)] = plsc.load_gather(lut_v,
                                                 [a_v[pl.ds(off, _LANES)]])

  co1 = pltpu.async_copy(out_v.at[pl.ds(half, half)],
                         out_hbm.at[pl.ds(base + half, half)], sem_o1)

  @pl.when(jnp.logical_not(is_last))
  def _():
    pltpu.make_async_copy(out_v.at[pl.ds(0, half)],
                          out_hbm.at[pl.ds(base, half)], sem_o0).wait()

  @pl.when(is_last)
  def _():
    pltpu.make_async_copy(out_v.at[pl.ds(skip, half - skip)],
                          out_hbm.at[pl.ds(base + skip, half - skip)],
                          sem_o0).wait()

  co1.wait()


@functools.partial(jax.jit, static_argnames=("chunk", "num_species"))
def _species_lookup(a, species, chunk, num_species):
  n = a.shape[0]
  mesh = plsc.VectorSubcoreMesh(core_axis_name="c", subcore_axis_name="s")
  body = functools.partial(_species_lookup_body, chunk, n, num_species)
  return pl.kernel(
      body,
      out_type=jax.ShapeDtypeStruct((n,), jnp.int32),
      mesh=mesh,
      scratch_types=[
          pltpu.VMEM((chunk,), jnp.int32),
          pltpu.VMEM((chunk,), jnp.int32),
          pltpu.VMEM((_LANES,), jnp.int32),
          pltpu.VMEM((_LANES,), jnp.int32),
          pltpu.SemaphoreType.DMA,
          pltpu.SemaphoreType.DMA,
          pltpu.SemaphoreType.DMA,
          pltpu.SemaphoreType.DMA,
          pltpu.SemaphoreType.DMA,
      ],
      compiler_params=pltpu.CompilerParams(needs_layout_passes=False),
  )(a, species)


def kernel(atomic_numbers, species):
  n = atomic_numbers.shape[0]
  num_species = species.shape[0]

  chunk = -(-(-(-n // _NUM_WORKERS)) // (2 * _LANES)) * (2 * _LANES)
  assert n >= chunk and n % 8 == 0

  return _species_lookup(atomic_numbers.astype(jnp.int32),
                         species.astype(jnp.int32), chunk, num_species)

# --- scband reference (transcript-rebuilt; emitter-appended) ---
"""Pipeline reference for scband-species-transform-35244501631530 (READ-ONLY COPY).

The authoritative reference and input builder live on the scoring server;
editing this copy changes nothing except your own understanding.
"""

import jax, jax.numpy as jnp
import numpy as np

N_NODES = 100000
SPECIES = [0, 1, 2, 3, 4, 5, 6, 7, 8, 9]


def setup_inputs(seed: int = 0) -> dict:
    key = jax.random.key(seed)
    # per-node atomic numbers, drawn from the species list (values 0..9)
    atomic_numbers = jax.random.randint(key, (N_NODES,), 0, 10)
    # the ordered species list from init_kwargs, materialized as a constant array
    species = jnp.array(SPECIES, dtype=atomic_numbers.dtype)
    return {"atomic_numbers": atomic_numbers, "species": species}


def reference(atomic_numbers, species):
    # Faithful translation of SpeciesTransform.__call__:
    #   vwhere = jax.vmap(lambda num: jnp.argwhere(num == self._atomic_numbers, size=1)[0])
    #   nodes[out_field] = vwhere(nodes[field])[:, 0]
    vwhere = jax.vmap(lambda num: jnp.argwhere(num == species, size=1)[0])
    atomic_type_idx = vwhere(atomic_numbers)[:, 0]
    return atomic_type_idx

if __name__ == "__main__":
    import jax
    _d = setup_inputs()
    print(jax.jit(kernel)(*tuple(_d.values())))

</pallas_src>

<mosaic_0001>
#map = affine_map<(d0, d1) -> (0)>
module attributes {stable_mosaic.version = 14 : i64} {
  func.func @_species_lookup_body(%arg0: i32, %arg1: i32, %arg2: memref<100000xi32, #tpu.memory_space<hbm>>, %arg3: memref<10xi32, #tpu.memory_space<hbm>>, %arg4: memref<100000xi32, #tpu.memory_space<hbm>>, %arg5: memref<3136xi32, #tpu.memory_space<vmem>>, %arg6: memref<3136xi32, #tpu.memory_space<vmem>>, %arg7: memref<16xi32, #tpu.memory_space<vmem>>, %arg8: memref<16xi32, #tpu.memory_space<vmem>>, %arg9: memref<!tpu.dma_semaphore, #tpu.memory_space<semaphore_mem>>, %arg10: memref<!tpu.dma_semaphore, #tpu.memory_space<semaphore_mem>>, %arg11: memref<!tpu.dma_semaphore, #tpu.memory_space<semaphore_mem>>, %arg12: memref<!tpu.dma_semaphore, #tpu.memory_space<semaphore_mem>>, %arg13: memref<!tpu.dma_semaphore, #tpu.memory_space<semaphore_mem>>) attributes {dimension_semantics = [#tpu.dimension_semantics<core_parallel>, #tpu.dimension_semantics<subcore_parallel>], iteration_bounds = array<i64: 2, 16>, scalar_prefetch = 0 : i64, scratch_operands = 9 : i64, tpu.core_type = #tpu.core_type<sc_vector_subcore>, window_params = [{transform_indices = #map}, {transform_indices = #map}, {transform_indices = #map}]} {
    %mul3A = arith.constant 2 : i32
    %mul3A_0 = arith.muli %arg1, %mul3A : i32
    %add3A = arith.addi %mul3A_0, %arg0 : i32
    %eq3A = arith.constant 31 : i32
    %eq3A_1 = arith.cmpi eq, %add3A, %eq3A : i32
    %mul3A_2 = arith.constant 3136 : i32
    %mul3A_3 = arith.muli %add3A, %mul3A_2 : i32
    %min3A = arith.constant 96864 : i32
    %min3A_4 = arith.minsi %mul3A_3, %min3A : i32
    %dma_start3A = arith.constant 0 : i32
    %dma_start3A_5 = tpu.memref_slice %arg5[%dma_start3A] : memref<3136xi32, #tpu.memory_space<vmem>> -> memref<1568xi32, #tpu.memory_space<vmem>>
    %dma_start3A_6 = tpu.memref_slice %arg2[%min3A_4] : memref<100000xi32, #tpu.memory_space<hbm>> -> memref<1568xi32, #tpu.memory_space<hbm>>
    %dma_start3A_7 = arith.constant 0 : i32
    %dma_start3A_8 = tpu.memref_slice %arg5[%dma_start3A_7] : memref<3136xi32, #tpu.memory_space<vmem>> -> memref<1568xi32, #tpu.memory_space<vmem>>
    %dma_start3A_9 = tpu.memref_slice %arg2[%min3A_4] : memref<100000xi32, #tpu.memory_space<hbm>> -> memref<1568xi32, #tpu.memory_space<hbm>>
    tpu.enqueue_dma source(%dma_start3A_9 : memref<1568xi32, #tpu.memory_space<hbm>>) target(%dma_start3A_8 : memref<1568xi32, #tpu.memory_space<vmem>>) target_semaphore(%arg10 : memref<!tpu.dma_semaphore, #tpu.memory_space<semaphore_mem>>)
    %add3A_10 = arith.constant 1568 : i32
    %add3A_11 = arith.addi %min3A_4, %add3A_10 : i32
    %dma_start3A_12 = arith.constant 1568 : i32
    %dma_start3A_13 = tpu.memref_slice %arg5[%dma_start3A_12] : memref<3136xi32, #tpu.memory_space<vmem>> -> memref<1568xi32, #tpu.memory_space<vmem>>
    %dma_start3A_14 = tpu.memref_slice %arg2[%add3A_11] : memref<100000xi32, #tpu.memory_space<hbm>> -> memref<1568xi32, #tpu.memory_space<hbm>>
    %dma_start3A_15 = arith.constant 1568 : i32
    %dma_start3A_16 = tpu.memref_slice %arg5[%dma_start3A_15] : memref<3136xi32, #tpu.memory_space<vmem>> -> memref<1568xi32, #tpu.memory_space<vmem>>
    %dma_start3A_17 = tpu.memref_slice %arg2[%add3A_11] : memref<100000xi32, #tpu.memory_space<hbm>> -> memref<1568xi32, #tpu.memory_space<hbm>>
    tpu.enqueue_dma source(%dma_start3A_17 : memref<1568xi32, #tpu.memory_space<hbm>>) target(%dma_start3A_16 : memref<1568xi32, #tpu.memory_space<vmem>>) target_semaphore(%arg11 : memref<!tpu.dma_semaphore, #tpu.memory_space<semaphore_mem>>)
    %broadcast_in_dim3A = arith.constant 0 : i32
    %broadcast_in_dim3A_18 = vector.broadcast %broadcast_in_dim3A : i32 to vector<16xi32>
    %swap3A = arith.constant 0 : index
    %swap3A_19 = tpu.vector_load %arg7[%swap3A] {strides = array<i32>} : memref<16xi32, #tpu.memory_space<vmem>>, vector<16xi32>,
    tpu.vector_store %arg7[%swap3A], %broadcast_in_dim3A_18 {strides = array<i32>} : memref<16xi32, #tpu.memory_space<vmem>>, vector<16xi32>,
    %dma_start3A_20 = arith.constant 0 : i32
    %dma_start3A_21 = tpu.memref_slice %arg7[%dma_start3A_20] : memref<16xi32, #tpu.memory_space<vmem>> -> memref<10xi32, #tpu.memory_space<vmem>>
    %dma_start3A_22 = arith.constant 0 : i32
    %dma_start3A_23 = tpu.memref_slice %arg7[%dma_start3A_22] : memref<16xi32, #tpu.memory_space<vmem>> -> memref<10xi32, #tpu.memory_space<vmem>>
    tpu.enqueue_dma source(%arg3 : memref<10xi32, #tpu.memory_space<hbm>>) target(%dma_start3A_23 : memref<10xi32, #tpu.memory_space<vmem>>) target_semaphore(%arg9 : memref<!tpu.dma_semaphore, #tpu.memory_space<semaphore_mem>>)
    %dma_wait3A = arith.constant 0 : i32
    %dma_wait3A_24 = tpu.memref_slice %arg7[%dma_wait3A] : memref<16xi32, #tpu.memory_space<vmem>> -> memref<10xi32, #tpu.memory_space<vmem>>
    %dma_wait3A_25 = arith.constant 0 : i32
    %dma_wait3A_26 = tpu.memref_slice %arg7[%dma_wait3A_25] : memref<16xi32, #tpu.memory_space<vmem>> -> memref<10xi32, #tpu.memory_space<vmem>>
    tpu.wait_dma2 semaphore(%arg9 : memref<!tpu.dma_semaphore, #tpu.memory_space<semaphore_mem>>) src(%arg3 : memref<10xi32, #tpu.memory_space<hbm>>) dst(%dma_wait3A_26 : memref<10xi32, #tpu.memory_space<vmem>>)
    %iota3A = tpu.iota {dimensions = array<i32: 0>} : vector<16xi32>
    %get3A = arith.constant 0 : index
    %get3A_27 = tpu.vector_load %arg7[%get3A] {strides = array<i32>} : memref<16xi32, #tpu.memory_space<vmem>>, vector<16xi32>,
    %lt3A = arith.constant 10 : i32
    %lt3A_28 = vector.broadcast %lt3A : i32 to vector<16xi32>
    %lt3A_29 = arith.cmpi slt, %iota3A, %lt3A_28 : vector<16xi32>
    tpu.vector_store_idx %arg8[%get3A_27], %iota3A masked %lt3A_29 : memref<16xi32, #tpu.memory_space<vmem>>[vector<16xi32>], vector<16xi32>, vector<16xi1>
    %dma_wait3A_30 = arith.constant 0 : i32
    %dma_wait3A_31 = tpu.memref_slice %arg5[%dma_wait3A_30] : memref<3136xi32, #tpu.memory_space<vmem>> -> memref<1568xi32, #tpu.memory_space<vmem>>
    %dma_wait3A_32 = tpu.memref_slice %arg2[%min3A_4] : memref<100000xi32, #tpu.memory_space<hbm>> -> memref<1568xi32, #tpu.memory_space<hbm>>
    %dma_wait3A_33 = arith.constant 0 : i32
    %dma_wait3A_34 = tpu.memref_slice %arg5[%dma_wait3A_33] : memref<3136xi32, #tpu.memory_space<vmem>> -> memref<1568xi32, #tpu.memory_space<vmem>>
    %dma_wait3A_35 = tpu.memref_slice %arg2[%min3A_4] : memref<100000xi32, #tpu.memory_space<hbm>> -> memref<1568xi32, #tpu.memory_space<hbm>>
    tpu.wait_dma2 semaphore(%arg10 : memref<!tpu.dma_semaphore, #tpu.memory_space<semaphore_mem>>) src(%dma_wait3A_35 : memref<1568xi32, #tpu.memory_space<hbm>>) dst(%dma_wait3A_34 : memref<1568xi32, #tpu.memory_space<vmem>>)
    %parallel_loop3A = arith.constant 0 : i32
    %parallel_loop3A_36 = arith.constant 1568 : i32
    %parallel_loop3A_37 = arith.constant 16 : i32
    scf.for %parallel_loop3A_74 = %parallel_loop3A to %parallel_loop3A_36 step %parallel_loop3A_37  : i32 {
      %parallel_loop3A_75 = arith.index_cast %parallel_loop3A_74 : i32 to index
      %parallel_loop3A_76 = tpu.vector_load %arg5[%parallel_loop3A_75] {strides = array<i32>} : memref<3136xi32, #tpu.memory_space<vmem>>, vector<16xi32>,
      %parallel_loop3A_77 = tpu.vector_load_idx %arg8[%parallel_loop3A_76] : memref<16xi32, #tpu.memory_space<vmem>>[vector<16xi32>], vector<16xi32>,
      %parallel_loop3A_78 = arith.index_cast %parallel_loop3A_74 : i32 to index
      %parallel_loop3A_79 = tpu.vector_load %arg6[%parallel_loop3A_78] {strides = array<i32>} : memref<3136xi32, #tpu.memory_space<vmem>>, vector<16xi32>,
      tpu.vector_store %arg6[%parallel_loop3A_78], %parallel_loop3A_77 {strides = array<i32>} : memref<3136xi32, #tpu.memory_space<vmem>>, vector<16xi32>,
    } {sc.loop_unroll_factor = 8 : i64, sc.parallel_access}
    %not3A = arith.constant true
    %not3A_38 = arith.xori %eq3A_1, %not3A : i1
    %convert_element_type3A = arith.extui %not3A_38 : i1 to i32
    %cond3A = arith.constant 0 : i32
    %cond3A_39 = arith.cmpi ne, %convert_element_type3A, %cond3A : i32
    scf.if %cond3A_39 {
      %dma_start3A_74 = arith.constant 0 : i32
      %dma_start3A_75 = tpu.memref_slice %arg6[%dma_start3A_74] : memref<3136xi32, #tpu.memory_space<vmem>> -> memref<1568xi32, #tpu.memory_space<vmem>>
      %dma_start3A_76 = tpu.memref_slice %arg4[%min3A_4] : memref<100000xi32, #tpu.memory_space<hbm>> -> memref<1568xi32, #tpu.memory_space<hbm>>
      %dma_start3A_77 = tpu.memref_slice %arg4[%min3A_4] : memref<100000xi32, #tpu.memory_space<hbm>> -> memref<1568xi32, #tpu.memory_space<hbm>>
      %dma_start3A_78 = arith.constant 0 : i32
      %dma_start3A_79 = tpu.memref_slice %arg6[%dma_start3A_78] : memref<3136xi32, #tpu.memory_space<vmem>> -> memref<1568xi32, #tpu.memory_space<vmem>>
      tpu.enqueue_dma source(%dma_start3A_79 : memref<1568xi32, #tpu.memory_space<vmem>>) target(%dma_start3A_77 : memref<1568xi32, #tpu.memory_space<hbm>>) target_semaphore(%arg12 : memref<!tpu.dma_semaphore, #tpu.memory_space<semaphore_mem>>)
    } else {
    }
    %convert_element_type3A_40 = arith.extui %eq3A_1 : i1 to i32
    %cond3A_41 = arith.constant 0 : i32
    %cond3A_42 = arith.cmpi ne, %convert_element_type3A_40, %cond3A_41 : i32
    scf.if %cond3A_42 {
      %add3A_74 = arith.constant 352 : i32
      %add3A_75 = arith.addi %min3A_4, %add3A_74 : i32
      %dma_start3A_76 = arith.constant 352 : i32
      %dma_start3A_77 = tpu.memref_slice %arg6[%dma_start3A_76] : memref<3136xi32, #tpu.memory_space<vmem>> -> memref<1216xi32, #tpu.memory_space<vmem>>
      %dma_start3A_78 = tpu.memref_slice %arg4[%add3A_75] : memref<100000xi32, #tpu.memory_space<hbm>> -> memref<1216xi32, #tpu.memory_space<hbm>>
      %dma_start3A_79 = tpu.memref_slice %arg4[%add3A_75] : memref<100000xi32, #tpu.memory_space<hbm>> -> memref<1216xi32, #tpu.memory_space<hbm>>
      %dma_start3A_80 = arith.constant 352 : i32
      %dma_start3A_81 = tpu.memref_slice %arg6[%dma_start3A_80] : memref<3136xi32, #tpu.memory_space<vmem>> -> memref<1216xi32, #tpu.memory_space<vmem>>
      tpu.enqueue_dma source(%dma_start3A_81 : memref<1216xi32, #tpu.memory_space<vmem>>) target(%dma_start3A_79 : memref<1216xi32, #tpu.memory_space<hbm>>) target_semaphore(%arg12 : memref<!tpu.dma_semaphore, #tpu.memory_space<semaphore_mem>>)
    } else {
    }
    %dma_wait3A_43 = arith.constant 1568 : i32
    %dma_wait3A_44 = tpu.memref_slice %arg5[%dma_wait3A_43] : memref<3136xi32, #tpu.memory_space<vmem>> -> memref<1568xi32, #tpu.memory_space<vmem>>
    %dma_wait3A_45 = tpu.memref_slice %arg2[%add3A_11] : memref<100000xi32, #tpu.memory_space<hbm>> -> memref<1568xi32, #tpu.memory_space<hbm>>
    %dma_wait3A_46 = arith.constant 1568 : i32
    %dma_wait3A_47 = tpu.memref_slice %arg5[%dma_wait3A_46] : memref<3136xi32, #tpu.memory_space<vmem>> -> memref<1568xi32, #tpu.memory_space<vmem>>
    %dma_wait3A_48 = tpu.memref_slice %arg2[%add3A_11] : memref<100000xi32, #tpu.memory_space<hbm>> -> memref<1568xi32, #tpu.memory_space<hbm>>
    tpu.wait_dma2 semaphore(%arg11 : memref<!tpu.dma_semaphore, #tpu.memory_space<semaphore_mem>>) src(%dma_wait3A_48 : memref<1568xi32, #tpu.memory_space<hbm>>) dst(%dma_wait3A_47 : memref<1568xi32, #tpu.memory_space<vmem>>)
    %parallel_loop3A_49 = arith.constant 1568 : i32
    %parallel_loop3A_50 = arith.constant 3136 : i32
    %parallel_loop3A_51 = arith.constant 16 : i32
    scf.for %parallel_loop3A_74 = %parallel_loop3A_49 to %parallel_loop3A_50 step %parallel_loop3A_51  : i32 {
      %parallel_loop3A_75 = arith.index_cast %parallel_loop3A_74 : i32 to index
      %parallel_loop3A_76 = tpu.vector_load %arg5[%parallel_loop3A_75] {strides = array<i32>} : memref<3136xi32, #tpu.memory_space<vmem>>, vector<16xi32>,
      %parallel_loop3A_77 = tpu.vector_load_idx %arg8[%parallel_loop3A_76] : memref<16xi32, #tpu.memory_space<vmem>>[vector<16xi32>], vector<16xi32>,
      %parallel_loop3A_78 = arith.index_cast %parallel_loop3A_74 : i32 to index
      %parallel_loop3A_79 = tpu.vector_load %arg6[%parallel_loop3A_78] {strides = array<i32>} : memref<3136xi32, #tpu.memory_space<vmem>>, vector<16xi32>,
      tpu.vector_store %arg6[%parallel_loop3A_78], %parallel_loop3A_77 {strides = array<i32>} : memref<3136xi32, #tpu.memory_space<vmem>>, vector<16xi32>,
    } {sc.loop_unroll_factor = 8 : i64, sc.parallel_access}
    %add3A_52 = arith.constant 1568 : i32
    %add3A_53 = arith.addi %min3A_4, %add3A_52 : i32
    %dma_start3A_54 = arith.constant 1568 : i32
    %dma_start3A_55 = tpu.memref_slice %arg6[%dma_start3A_54] : memref<3136xi32, #tpu.memory_space<vmem>> -> memref<1568xi32, #tpu.memory_space<vmem>>
    %dma_start3A_56 = tpu.memref_slice %arg4[%add3A_53] : memref<100000xi32, #tpu.memory_space<hbm>> -> memref<1568xi32, #tpu.memory_space<hbm>>
    %dma_start3A_57 = tpu.memref_slice %arg4[%add3A_53] : memref<100000xi32, #tpu.memory_space<hbm>> -> memref<1568xi32, #tpu.memory_space<hbm>>
    %dma_start3A_58 = arith.constant 1568 : i32
    %dma_start3A_59 = tpu.memref_slice %arg6[%dma_start3A_58] : memref<3136xi32, #tpu.memory_space<vmem>> -> memref<1568xi32, #tpu.memory_space<vmem>>
    tpu.enqueue_dma source(%dma_start3A_59 : memref<1568xi32, #tpu.memory_space<vmem>>) target(%dma_start3A_57 : memref<1568xi32, #tpu.memory_space<hbm>>) target_semaphore(%arg13 : memref<!tpu.dma_semaphore, #tpu.memory_space<semaphore_mem>>)
    %not3A_60 = arith.constant true
    %not3A_61 = arith.xori %eq3A_1, %not3A_60 : i1
    %convert_element_type3A_62 = arith.extui %not3A_61 : i1 to i32
    %cond3A_63 = arith.constant 0 : i32
    %cond3A_64 = arith.cmpi ne, %convert_element_type3A_62, %cond3A_63 : i32
    scf.if %cond3A_64 {
      %dma_wait3A_74 = arith.constant 0 : i32
      %dma_wait3A_75 = tpu.memref_slice %arg6[%dma_wait3A_74] : memref<3136xi32, #tpu.memory_space<vmem>> -> memref<1568xi32, #tpu.memory_space<vmem>>
      %dma_wait3A_76 = tpu.memref_slice %arg4[%min3A_4] : memref<100000xi32, #tpu.memory_space<hbm>> -> memref<1568xi32, #tpu.memory_space<hbm>>
      %dma_wait3A_77 = tpu.memref_slice %arg4[%min3A_4] : memref<100000xi32, #tpu.memory_space<hbm>> -> memref<1568xi32, #tpu.memory_space<hbm>>
      %dma_wait3A_78 = arith.constant 0 : i32
      %dma_wait3A_79 = tpu.memref_slice %arg6[%dma_wait3A_78] : memref<3136xi32, #tpu.memory_space<vmem>> -> memref<1568xi32, #tpu.memory_space<vmem>>
      tpu.wait_dma2 semaphore(%arg12 : memref<!tpu.dma_semaphore, #tpu.memory_space<semaphore_mem>>) src(%dma_wait3A_79 : memref<1568xi32, #tpu.memory_space<vmem>>) dst(%dma_wait3A_77 : memref<1568xi32, #tpu.memory_space<hbm>>)
    } else {
    }
    %convert_element_type3A_65 = arith.extui %eq3A_1 : i1 to i32
    %cond3A_66 = arith.constant 0 : i32
    %cond3A_67 = arith.cmpi ne, %convert_element_type3A_65, %cond3A_66 : i32
    scf.if %cond3A_67 {
      %add3A_74 = arith.constant 352 : i32
      %add3A_75 = arith.addi %min3A_4, %add3A_74 : i32
      %dma_wait3A_76 = arith.constant 352 : i32
      %dma_wait3A_77 = tpu.memref_slice %arg6[%dma_wait3A_76] : memref<3136xi32, #tpu.memory_space<vmem>> -> memref<1216xi32, #tpu.memory_space<vmem>>
      %dma_wait3A_78 = tpu.memref_slice %arg4[%add3A_75] : memref<100000xi32, #tpu.memory_space<hbm>> -> memref<1216xi32, #tpu.memory_space<hbm>>
      %dma_wait3A_79 = tpu.memref_slice %arg4[%add3A_75] : memref<100000xi32, #tpu.memory_space<hbm>> -> memref<1216xi32, #tpu.memory_space<hbm>>
      %dma_wait3A_80 = arith.constant 352 : i32
      %dma_wait3A_81 = tpu.memref_slice %arg6[%dma_wait3A_80] : memref<3136xi32, #tpu.memory_space<vmem>> -> memref<1216xi32, #tpu.memory_space<vmem>>
      tpu.wait_dma2 semaphore(%arg12 : memref<!tpu.dma_semaphore, #tpu.memory_space<semaphore_mem>>) src(%dma_wait3A_81 : memref<1216xi32, #tpu.memory_space<vmem>>) dst(%dma_wait3A_79 : memref<1216xi32, #tpu.memory_space<hbm>>)
    } else {
    }
    %dma_wait3A_68 = arith.constant 1568 : i32
    %dma_wait3A_69 = tpu.memref_slice %arg6[%dma_wait3A_68] : memref<3136xi32, #tpu.memory_space<vmem>> -> memref<1568xi32, #tpu.memory_space<vmem>>
    %dma_wait3A_70 = tpu.memref_slice %arg4[%add3A_53] : memref<100000xi32, #tpu.memory_space<hbm>> -> memref<1568xi32, #tpu.memory_space<hbm>>
    %dma_wait3A_71 = tpu.memref_slice %arg4[%add3A_53] : memref<100000xi32, #tpu.memory_space<hbm>> -> memref<1568xi32, #tpu.memory_space<hbm>>
    %dma_wait3A_72 = arith.constant 1568 : i32
    %dma_wait3A_73 = tpu.memref_slice %arg6[%dma_wait3A_72] : memref<3136xi32, #tpu.memory_space<vmem>> -> memref<1568xi32, #tpu.memory_space<vmem>>
    tpu.wait_dma2 semaphore(%arg13 : memref<!tpu.dma_semaphore, #tpu.memory_space<semaphore_mem>>) src(%dma_wait3A_73 : memref<1568xi32, #tpu.memory_space<vmem>>) dst(%dma_wait3A_71 : memref<1568xi32, #tpu.memory_space<hbm>>)
    return
  }
}

</mosaic_0001>

<sc_bundles>
// kernel: _species_lookup.3.cloned.1.call-start
scs
__scs_entry_jumppad:
0x0: {  	(pc) =	sbr.rel $0x88, $3  }
0x1: {  	(tag) =	ssettag $0x0;
	lr =	simm.s32 $0x1  }
0x2: {  	[smem:$0x3F9F] =	sst lr;
	_ =	strace $0xD0000000  }
0x3: {  	_ = 	snop  }
0x4: {  	_ = 	snop  }
0x5: {  	_ = 	snop  }
0x6: {  	_ = 	snop  }
0x7: {  	_ = 	snop  }
__scs_overlays_trampoline_lowered:
0x8: {  	[smem:$0x3FAE] =	sst s0  }
0x9: {  	[smem:$0x3FAF] =	sst s1  }
0xa: {  	[smem:$0x3FB0] =	sst s2  }
0xb: {  	[smem:$0x3FB1] =	sst s3  }
0xc: {  	[smem:$0x3FB2] =	sst s4  }
0xd: {  	[smem:$0x3FB3] =	sst s5  }
0xe: {  	[smem:$0x3FB4] =	sst s6  }
0xf: {  	[smem:$0x3FB5] =	sst s7  }
0x10: {  	[smem:$0x3FB6] =	sst s8  }
0x11: {  	[smem:$0x3FB7] =	sst s9;
	s0 =	simm.s32 @!p0 $0x0  }
0x12: {  	s1 =	sld [smem:$0x3F9D];
	s0 =	simm.s32 @p0 $0x1  }
0x13: {  	[smem:$0x3FB8] =	sst s0;
	s0 =	simm.s32 @!p1 $0x0  }
0x14: {  	s2 =	sld [smem:$0x3F9C];
	s0 =	simm.s32 @p1 $0x1  }
0x15: {  	[smem:$0x3FB9] =	sst s0;
	s0 =	simm.s32 @!p2 $0x0  }
0x16: {  	s3 =	sld [smem:$0x3FDB];
	s0 =	simm.s32 @p2 $0x1  }
0x17: {  	s4 =	simm.s32 $0x1BF5;
	[smem:$0x3FBB] =	sst s0  }
0x18: {  	s0 =	sld [smem:$0x3F9E];
	_ =	swait.ge [sflag:s4], $0x0  }
0x19: {  	s7 =	sld [smem:$0x3F9F]  }
0x1a: {  	s8 =	sadd.s32 $0xFFFFE003, lr  }
0x1b: {  	s9 =	sadd.s32 $0xFFFFFEF7, lr;
	s5 =	simm.s32 $0xFFFFFFFF;
	p2 =	slt.u32 s8, $0xFFFFF086  }
0x1c: {  	p1 =	slt.u32 s9, $0xF7A;
	s5 =	simm.s32 @!p2 $0x0  }
0x1d: {  	s5 =	simm.s32 @p1 $0x1;
	p0 =	seq.s32 s7, s2  }
0x1e: {  	s7 =	smul.u32 @!p0 $0xF7A, s2;
	p2 =	seq.s32 @!p0 s5, $0x0  }
0x1f: {  	s9 =	smul.u32 $0xF7A, s1;
	s8 =	simm.s32 @!p0 $0x1BF5;
	p2 =	por !p2, p0  }
0x20: {  	[sflag:s8] =	ssyncset.s32 @!p0 $0xFFFFF086;
	s6 =	sadd.s32 @!p0 s3, s7;
	s7 =	simm.s32 @!p0 $0x108  }
0x21: {  	s3 =	sadd.s32 s3, s9;
	s6 =	sadd.s32 @!p0 $0x88, s6;
	s7 =	simm.s32 @p2 $0x1082  }
0x22: {  	[simem:s7], [sflag:s8] =	dma.local @!p0 [hbm:s6], $0xF7A  }
0x23: {  	s9 =	sor.u32 $0xD0000000, s2;
	s6 =	simm.s32 $0x108;
	_ =	swait.ge @!p0 [sflag:s8], $0x0  }
0x24: {  	s3 =	sadd.s32 $0x88, s3;
	s6 =	simm.s32 @!p1 $0x1082;
	[sflag:s4] =	ssyncset.s32 $0xFFFFF086  }
0x25: {  	[simem:s6], [sflag:s4] =	dma.local [hbm:s3], $0xF7A  }
0x26: {  	[smem:$0x3F9F] =	sst s1;
	(tag) =	ssettag s2;
	_ =	strace s9  }
0x27: {  	s1 =	sld [smem:$0x3FAF]  }
0x28: {  	s2 =	sld [smem:$0x3FB0]  }
0x29: {  	s4 =	sld [smem:$0x3FB2]  }
0x2a: {  	p0 =	seq.s32 s5, $0x0;
	s5 =	sld [smem:$0x3FB3]  }
0x2b: {  	s6 =	sld [smem:$0x3FB4]  }
0x2c: {  	s7 =	sld [smem:$0x3FB5]  }
0x2d: {  	s3 =	simm.s32 $0x108;
	s8 =	sld [smem:$0x3FB6]  }
0x2e: {  	s3 =	simm.s32 @!p0 $0x1082;
	s9 =	sld [smem:$0x3FB7]  }
0x2f: {  	lr =	sadd.s32 s0, s3;
	s0 =	sld [smem:$0x3FAE]  }
0x30: {  	s3 =	sld [smem:$0x3FB1]  }
0x31: {  	[smem:$0x3FBA] =	sst s10  }
0x32: {  	s10 =	sld [smem:$0x3FB8];
	_ =	sdelay $0x3  }
0x33: {  	p0 =	seq.s32 s10, $0x1;
	s10 =	sld [smem:$0x3FBA];
	_ =	sdelay $0x3  }
0x34: {  	[smem:$0x3FBA] =	sst s10  }
0x35: {  	s10 =	sld [smem:$0x3FB9];
	_ =	sdelay $0x3  }
0x36: {  	p1 =	seq.s32 s10, $0x1;
	s10 =	sld [smem:$0x3FBA];
	_ =	sdelay $0x3  }
0x37: {  	[smem:$0x3FBA] =	sst s10  }
0x38: {  	s10 =	sld [smem:$0x3FBB]  }
0x39: {  	_ = 	snop;
	(pc) =	sbr.ind lr, $3  }
0x3a: {  	_ = 	snop  }
0x3b: {  	_ = 	snop  }
0x3c: {  	p2 =	seq.s32 s10, $0x1;
	s10 =	sld [smem:$0x3FBA]  }
0x3d: {  	_ =	shalt  }
0x3e: {  	_ =	shalt  }
0x3f: {  	_ =	shalt  }
0x40: {  	_ =	shalt  }
0x41: {  	_ =	shalt  }
0x42: {  	_ =	shalt  }
0x43: {  	_ =	shalt  }
0x44: {  	_ =	shalt  }
0x45: {  	_ =	shalt  }
0x46: {  	_ =	shalt  }
0x47: {  	_ =	shalt  }
0x48: {  	_ =	shalt  }
0x49: {  	_ =	shalt  }
0x4a: {  	_ =	shalt  }
0x4b: {  	_ =	shalt  }
0x4c: {  	_ =	shalt  }
0x4d: {  	_ =	shalt  }
0x4e: {  	_ =	shalt  }
0x4f: {  	_ =	shalt  }
0x50: {  	_ =	shalt  }
0x51: {  	_ =	shalt  }
0x52: {  	_ =	shalt  }
0x53: {  	_ =	shalt  }
0x54: {  	_ =	shalt  }
0x55: {  	_ =	shalt  }
0x56: {  	_ =	shalt  }
0x57: {  	_ =	shalt  }
0x58: {  	_ =	shalt  }
0x59: {  	_ =	shalt  }
0x5a: {  	_ =	shalt  }
0x5b: {  	_ =	shalt  }
0x5c: {  	_ =	shalt  }
0x5d: {  	_ =	shalt  }
0x5e: {  	_ =	shalt  }
0x5f: {  	_ =	shalt  }
0x60: {  	_ =	shalt  }
0x61: {  	_ =	shalt  }
0x62: {  	_ =	shalt  }
0x63: {  	_ =	shalt  }
0x64: {  	_ =	shalt  }
0x65: {  	_ =	shalt  }
0x66: {  	_ =	shalt  }
0x67: {  	_ =	shalt  }
0x68: {  	_ =	shalt  }
0x69: {  	_ =	shalt  }
0x6a: {  	_ =	shalt  }
0x6b: {  	_ =	shalt  }
0x6c: {  	_ =	shalt  }
0x6d: {  	_ =	shalt  }
0x6e: {  	_ =	shalt  }
0x6f: {  	_ =	shalt  }
0x70: {  	_ =	shalt  }
0x71: {  	_ =	shalt  }
0x72: {  	_ =	shalt  }
0x73: {  	_ =	shalt  }
0x74: {  	_ =	shalt  }
0x75: {  	_ =	shalt  }
0x76: {  	_ =	shalt  }
0x77: {  	_ =	shalt  }
0x78: {  	_ =	shalt  }
0x79: {  	_ =	shalt  }
0x7a: {  	_ =	shalt  }
0x7b: {  	_ =	shalt  }
0x7c: {  	_ =	shalt  }
0x7d: {  	_ =	shalt  }
0x7e: {  	_ =	shalt  }
0x7f: {  	_ =	shalt  }
0x80: {  	_ =	shalt  }
0x81: {  	_ =	shalt  }
0x82: {  	_ =	shalt  }
0x83: {  	_ =	shalt  }
0x84: {  	_ =	shalt  }
0x85: {  	_ =	shalt  }
0x86: {  	_ =	shalt  }
0x87: {  	_ =	shalt  }
.Lfunc_end0:
.L_simem_size_0:
called_computation_lowered:
.L_overlay_start_0:
0x88: {  	s2 =	sld [smem:$0x3FD9]  }
0x89: {  	s3 =	sld [smem:$0x3FFE];
	_ =	sdelay $0x1  }
0x8a: {  	s1 =	srdreg.scid  }
0x8b: {  	s0 =	sand.u32 $0x1, s1  }
0x8c: {  	s18 =	sshll.u32 s0, $0xA;
	s2 =	sadd.s32 s3, s2  }
0x8d: {  	s2 =	sadd.s32 s2, s18  }
0x8e: {  	[smem:$0x3FC6] =	sst s2  }
0x8f: {  	_ = 	snop  }
0x90: {  	s2 =	sld [smem:$0x3FC9]  }
0x91: {  	s19 =	sld [smem:$0x3FC8]  }
0x92: {  	s4 =	sld [smem:$0x3FD0];
	(tm) =	ssettm $0x1  }
0x93: {  	s5 =	sld [smem:$0x3FFB];
	_ =	sdelay $0x3  }
0x94: {  	_ =	strace s5  }
0x95: {  	s5 =	sld [smem:$0x3FFC];
	_ =	sdelay $0x3  }
0x96: {  	_ =	strace s5  }
0x97: {  	s5 =	sld [smem:$0x3FFD];
	_ =	sdelay $0x3  }
0x98: {  	_ =	strace s5  }
0x99: {  	_ =	strace $0x8FFFFFFF  }
0x9a: {  	s20 =	sld [smem:$0x3FDB];
	_ =	sdelay $0x1  }
0x9b: {  	s6 =	simm.s32 $_scs_section_size  }
0x9c: {  	s7 =	simm.s32 $_size__tile_overlayer_lowered;
	s8 =	simm.s32 $_tile_overlayer_lowered  }
0x9d: {  	s23 =	simm.s32 $0x1BFF;
	s22 =	sshll.u32 s8, $0x1;
	s5 =	sadd.s32 s6, s20  }
0x9e: {  	s9 =	simm.s32 $0x0;
	s21 =	sshll.u32 s7, $0x1;
	s7 =	sadd.s32 s22, s5  }
0x9f: {  	[timem:s9], [sflag:s23] =	dma.local [hbm:s7], s21  }
0xa0: {  	_ =	swait.ge [sflag:s23], s21  }
0xa1: {  	s6 =	ssub.s32 $0x0, s21;
	[sflag:s23] =	ssyncset.done $0x0  }
0xa2: {  	[sflag:s23] =	ssyncadd.s32 s6;
	_ =	sdelay $0x1  }
0xa3: {  	s24 =	simm.s32 $0x1B8B  }
0xa4: {  	_ =	swait.ge [sflag:s24], $0x1  }
0xa5: {  	[sflag:s24] =	ssyncset.done $0x0  }
0xa6: {  	s25 =	simm.s32 $0x1B8E;
	[sflag:s24] =	ssyncadd.s32 $0xFFFFFFFF  }
0xa7: {  	s26 =	simm.s32 $execute0_lowered;
	[smem:$0x3FD2] =	sst s25  }
0xa8: {  	s6 =	sshll.u32 s26, $0x1;
	_ =	strace $0x80000046;
	[dreg:$0x1] =	wrdreg $0xFFFFFFFF  }
0xa9: {  	s28 =	simm.s32 $_size_execute0_lowered;
	s5 =	sadd.s32 s5, s6;
	[dreg:$0x0] =	wrdreg $0x0  }
0xaa: {  	s6 =	sshll.u32 s28, $0x1;
	[dreg:$0x2] =	wrdreg s5  }
0xab: {  	[dreg:$0x3] =	wrdreg s6  }
0xac: {  	[dreg:$0x4] =	wrdreg $0xC0  }
0xad: {  	_ =	task [dreg:s9], $0x5FFFF  }
0xae: {  	[dreg:$0x1] =	wrdreg $0xFFFFFFFF  }
0xaf: {  	[dreg:$0x0] =	wrdreg $0x60  }
0xb0: {  	[dreg:$0x2] =	wrdreg s2  }
0xb1: {  	[dreg:$0x3] =	wrdreg s19  }
0xb2: {  	[dreg:$0x4] =	wrdreg s4  }
0xb3: {  	[dreg:$0x5] =	wrdreg $0x9  }
0xb4: {  	_ =	task.clear_ibuf [dreg:s9], $0x6FFFF;
	_ =	strace $0x90000046  }
0xb5: {  	s29 =	simm.s32 $0x9;
	_ =	strace $0x80000048  }
0xb6: {  	_ =	swait.ge [sflag:s29], $0x1  }
0xb7: {  	[sflag:s29] =	ssyncadd.s32 $0xFFFFFFFF  }
0xb8: {  	_ =	strace $0x90000048  }
0xb9: {  	_ =	sfence  }
0xba: {  	s30 =	sld [smem:$0x0];
	_ =	sdelay $0x2  }
0xbb: {  	s31 =	sshll.u32 s1, $0xD;
	s1 =	sshrl.u32 s1, $0x2  }
0xbc: {  	s3 =	sand.u32 $0x4000, s31;
	s1 =	sadd.s32 s1, s30  }
0xbd: {  	s0 =	sor.u32 s3, s0;
	s1 =	sshll.u32 s1, $0x11  }
0xbe: {  	s0 =	sor.u32 s1, s0  }
0xbf: {  	s0 =	sadd.s32 $0x8F2B, s0  }
0xc0: {  	[sflag:s0] =	ssyncadd.remote.s32 $0x1  }
0xc1: {  	_ =	sfence.sel $0xFFFF  }
0xc2: {  	[dreg:$0x0] =	wrdreg $0xFFFFFFFF;
	(pc) =	sbr.abs _section_cstart, $3  }
0xc3: {  	[dreg:$0x1] =	wrdreg $0xFFFFFFFF  }
0xc4: {  	_ =	task.clear_ibuf [dreg:s9], $0x2FFFF;
	_ =	strace $0x9FFFFFFF  }
0xc5: {  	(tm) =	ssettm $0x7FFFFFFF  }
tec
execute0_lowered:
.L_overlay_start_1:
0x0: {  	(tag) =	ssettag $0x1  }
0x1: {  	s5 =	rddreg [dreg:$0x0]  }
0x2: {  	s1 =	srdreg.scid;
	s2 =	rddreg [dreg:$0x1]  }
0x3: {  	s0 =	stileid.u32;
	s8 =	rddreg [dreg:$0x2]  }
0x4: {  	s3 =	simm.s32 $0x0;
	s11 =	simm.s32 $0x1900;
	s12 =	simm.s32 $0x1  }
0x5: {  	s13 =	simm.s32 $0x1980;
	s14 =	simm.s32 $0x2;
	s16 =	simm.s32 $0x12A0  }
0x6: {  	s17 =	simm.s32 $0x5;
	s4 =	sand.u32 $0x1, s1;
	s31 =	sshll.u32 s0, $0x1  }
0x7: {  	s18 =	simm.s32 $0x0;
	s1 =	rddreg [dreg:$0x3];
	s15 =	sor.u32 s4, s31  }
0x8: {  	[smem:$0x7FF] =	sst s3;
	s4 =	ssub.s32 $0x2, s4;
	s6 =	smul.u32 $0xC40, s15  }
0x9: {  	_ =	strace $0x80000047;
	s7 =	sshrl.u32 s4, $0x1;
	p0 =	seq.s32 s15, $0x1F  }
0xa: {  	s15 =	simm.s32 $0x3;
	s9 =	ssub.s32 s4, s7;
	s6 =	smin.u32 s6, $0x17A60  }
0xb: {  	s7 =	sadd.s32 $0x2F78, s8;
	s9 =	smax.u32 s9, $0x1;
	s6 =	sshrl.u32 s6, $0x3  }
0xc: {  	s4 =	sadd.s32 s5, s6;
	s10 =	sadd.s32 $0xC4, s6;
	s6 =	sadd.s32 s8, s6  }
0xd: {  	v0 =	vimm.s32 $0x0;
	v1 =	vlaneseq.u32;
	s5 =	sadd.s32 s5, s10;
	s8 =	sadd.s32 s8, s10;
	s10 =	simm.s32 $0x620  }
.LBB2_1:
0xe: {  	[tilespmem:s3], [sflag:$0x2] =	stream.linear.gather [hbm4b:s4+s3], $0x620, $0x38;
	[tilespmem:$0x1A00] =	vst v63  }
0xf: {  	_ = 	snop  }
0x10: {  	[tilespmem:s10], [sflag:$0x3] =	stream.linear.gather [hbm4b:s5+s3], $0x620, $0x38;
	[tilespmem:$0x1A00] =	vst v63  }
0x11: {  	[tilespmem:$0x1900] =	vst v0  }
0x12: {  	[tilespmem:s11], [sflag:$0x1] =	stream.linear.gather [hbm4b:s2+s3], $0xA, $0x38;
	[tilespmem:$0x1A00] =	vst v63  }
0x13: {  	_ =	swait.ge [sflag:s12], $0xA  }
0x14: {  	[sflag:s12] =	ssyncset.done $0x0  }
0x15: {  	[sflag:s12] =	ssyncadd.s32 $0xFFFFFFF6  }
0x16: {  	v2 =	vld [tilespmem:$0x1900];
	_ =	sdelay $0x7  }
0x17: {  	[tilespmem:v2+s13+$0x0] =	vst.idx.msk $0x3ff, v1  }
0x18: {  	_ =	swait.ge [sflag:s14], $0x620  }
0x19: {  	[sflag:s14] =	ssyncset.done $0x0  }
0x1a: {  	s19 =	simm.s32 $0x40;
	[sflag:s14] =	ssyncadd.s32 $0xFFFFF9E0  }
0x1b: {  	v2 =	vld [tilespmem:s19+$0x30]  }
0x1c: {  	v3 =	vld [tilespmem:s19+$0xFFFFFFD0]  }
0x1d: {  	v4 =	vld [tilespmem:s19+$0xFFFFFFE0]  }
0x1e: {  	v5 =	vld [tilespmem:s19+$0xFFFFFFF0]  }
0x1f: {  	v7 =	vld [tilespmem:s19+$0x0]  }
0x20: {  	v8 =	vld [tilespmem:s19+$0x10]  }
0x21: {  	v9 =	vld [tilespmem:s19+$0x20]  }
0x22: {  	v10 =	vld [tilespmem:s19+$0xFFFFFFC0]  }
0x23: {  	v11 =	vld.idx.msk [tilespmem:v2+s13+$0x0], $0xffff  }
0x24: {  	v12 =	vld.idx.msk [tilespmem:v3+s13+$0x0], $0xffff  }
0x25: {  	v6 =	vld.idx.msk [tilespmem:v4+s13+$0x0], $0xffff  }
0x26: {  	v4 =	vld.idx.msk [tilespmem:v5+s13+$0x0], $0xffff  }
0x27: {  	v2 =	vld.idx.msk [tilespmem:v7+s13+$0x0], $0xffff  }
0x28: {  	s22 =	simm.s32 $0xCC0;
	v3 =	vld.idx.msk [tilespmem:v8+s13+$0x0], $0xffff  }
0x29: {  	s23 =	simm.s32 $0x0;
	s20 =	simm.s32 $0x1280;
	v5 =	vld.idx.msk [tilespmem:v9+s13+$0x0], $0xffff;
	[tilespmem:s22+$0x30] =	vst v11  }
0x2a: {  	s21 =	simm.s32 $0x600;
	s24 =	simm.s32 $0xC0;
	s19 =	simm.s32 $0x5F0;
	v7 =	vld.idx.msk [tilespmem:v10+s13+$0x0], $0xffff;
	[tilespmem:s22+$0xFFFFFFD0] =	vst v12  }
.LBB2_2:
0x2b: {  	v8 =	vld [tilespmem:s24+$0x30];
	s23 =	sadd.s32 $0x80, s23;
	[tilespmem:s22+$0xFFFFFFE0] =	vst v6  }
0x2c: {  	v6 =	vld [tilespmem:s24+$0xFFFFFFD0];
	p1 =	slt.u32 s23, $0x580;
	[tilespmem:s22+$0xFFFFFFF0] =	vst v4  }
0x2d: {  	v4 =	vld [tilespmem:s24+$0xFFFFFFE0];
	[tilespmem:s22+$0x0] =	vst v2  }
0x2e: {  	v2 =	vld [tilespmem:s24+$0xFFFFFFF0];
	[tilespmem:s22+$0x10] =	vst v3  }
0x2f: {  	v3 =	vld [tilespmem:s24+$0x0];
	[tilespmem:s22+$0x20] =	vst v5  }
0x30: {  	v5 =	vld [tilespmem:s24+$0x10];
	[tilespmem:s22+$0xFFFFFFC0] =	vst v7  }
0x31: {  	v7 =	vld [tilespmem:s24+$0x20]  }
0x32: {  	v9 =	vld [tilespmem:s24+$0xFFFFFFC0]  }
0x33: {  	v8 =	vld.idx.msk [tilespmem:v8+s13+$0x0], $0xffff  }
0x34: {  	v10 =	vld.idx.msk [tilespmem:v6+s13+$0x0], $0xffff  }
0x35: {  	v6 =	vld.idx.msk [tilespmem:v4+s13+$0x0], $0xffff  }
.Ltmp0:
0x36: {  	v4 =	vld.idx.msk [tilespmem:v2+s13+$0x0], $0xffff;
	(pc) =	sbr.rel @p1 .LBB2_2-.Ltmp0, $4  }
0x37: {  	v2 =	vld.idx.msk [tilespmem:v3+s13+$0x0], $0xffff  }
0x38: {  	s22 =	sadd.s32 $0x80, s22;
	v3 =	vld.idx.msk [tilespmem:v5+s13+$0x0], $0xffff  }
0x39: {  	v5 =	vld.idx.msk [tilespmem:v7+s13+$0x0], $0xffff;
	[tilespmem:s22+$0x30] =	vst v8  }
0x3a: {  	s24 =	sadd.s32 $0x80, s24;
	v7 =	vld.idx.msk [tilespmem:v9+s13+$0x0], $0xffff;
	[tilespmem:s22+$0xFFFFFFD0] =	vst v10  }
0x3b: {  	[tilespmem:s22+$0xFFFFFFE0] =	vst v6  }
0x3c: {  	[tilespmem:s22+$0xFFFFFFF0] =	vst v4  }
0x3d: {  	[tilespmem:s22+$0x0] =	vst v2  }
0x3e: {  	[tilespmem:s22+$0x10] =	vst v3  }
0x3f: {  	[tilespmem:s22+$0x20] =	vst v5  }
0x40: {  	[tilespmem:s22+$0xFFFFFFC0] =	vst v7  }
.LBB2_4:
0x41: {  	v2 =	vld [tilespmem:s21+$0x0];
	_ =	sdelay $0x6  }
0x42: {  	s19 =	sadd.s32 $0x10, s19  }
0x43: {  	p1 =	slt.u32 s19, $0x610;
	v2 =	vld.idx.msk [tilespmem:v2+s13+$0x0], $0xffff  }
.Ltmp1:
0x44: {  	_ = 	snop;
	(pc) =	sbr.rel @p1 .LBB2_4-.Ltmp1, $2  }
0x45: {  	_ =	sdelay $0x2  }
0x46: {  	s21 =	sadd.s32 $0x10, s21;
	[tilespmem:s20+$0x0] =	vst v2;
	s20 =	sadd.s32 $0x10, s20  }
0x47: {  	s19 =	simm.s32 @p0 $0x0;
	s20 =	simm.s32 @p0 $0xDE0  }
0x48: {  	[hbm4b:s7+s19] =	stream.linear.scatter @p0 [tilespmem:s20], [sflag:$0x4], $0x4C0, $0x38;
	[tilespmem:$0x1A00] =	vst v63  }
0x49: {  	s19 =	simm.s32 @!p0 $0x0;
	s20 =	simm.s32 @!p0 $0xC80  }
0x4a: {  	[hbm4b:s6+s19] =	stream.linear.scatter @!p0 [tilespmem:s20], [sflag:$0x4], $0x620, $0x38;
	[tilespmem:$0x1A00] =	vst v63  }
0x4b: {  	_ =	swait.ge [sflag:s15], $0x620  }
0x4c: {  	[sflag:s15] =	ssyncset.done $0x0  }
0x4d: {  	s31 =	simm.s32 $0x690;
	[sflag:s15] =	ssyncadd.s32 $0xFFFFF9E0  }
0x4e: {  	v2 =	vld [tilespmem:s31+$0x0]  }
0x4f: {  	v3 =	vld [tilespmem:s31+$0xFFFFFFA0]  }
0x50: {  	v4 =	vld [tilespmem:s31+$0xFFFFFFB0]  }
0x51: {  	v5 =	vld [tilespmem:s31+$0xFFFFFFC0]  }
0x52: {  	v7 =	vld [tilespmem:s31+$0xFFFFFFD0]  }
0x53: {  	v8 =	vld [tilespmem:s31+$0xFFFFFFE0]  }
0x54: {  	v9 =	vld [tilespmem:s31+$0xFFFFFFF0]  }
0x55: {  	v10 =	vld [tilespmem:s31+$0xFFFFFF90]  }
0x56: {  	v11 =	vld.idx.msk [tilespmem:v2+s13+$0x0], $0xffff  }
0x57: {  	v12 =	vld.idx.msk [tilespmem:v3+s13+$0x0], $0xffff  }
0x58: {  	v6 =	vld.idx.msk [tilespmem:v4+s13+$0x0], $0xffff  }
0x59: {  	v4 =	vld.idx.msk [tilespmem:v5+s13+$0x0], $0xffff  }
0x5a: {  	v2 =	vld.idx.msk [tilespmem:v7+s13+$0x0], $0xffff  }
0x5b: {  	s22 =	simm.s32 $0x1310;
	v3 =	vld.idx.msk [tilespmem:v8+s13+$0x0], $0xffff  }
0x5c: {  	s23 =	simm.s32 $0x620;
	s21 =	simm.s32 $0xC20;
	v5 =	vld.idx.msk [tilespmem:v9+s13+$0x0], $0xffff;
	[tilespmem:s22+$0x0] =	vst v11  }
0x5d: {  	s24 =	simm.s32 $0x710;
	s19 =	simm.s32 $0xC10;
	s20 =	simm.s32 $0x18A0;
	v7 =	vld.idx.msk [tilespmem:v10+s13+$0x0], $0xffff;
	[tilespmem:s22+$0xFFFFFFA0] =	vst v12  }
.LBB2_6:
0x5e: {  	v8 =	vld [tilespmem:s24+$0x0];
	s23 =	sadd.s32 $0x80, s23;
	[tilespmem:s22+$0xFFFFFFB0] =	vst v6  }
0x5f: {  	v6 =	vld [tilespmem:s24+$0xFFFFFFA0];
	p1 =	slt.u32 s23, $0xBA0;
	[tilespmem:s22+$0xFFFFFFC0] =	vst v4  }
0x60: {  	v4 =	vld [tilespmem:s24+$0xFFFFFFB0];
	[tilespmem:s22+$0xFFFFFFD0] =	vst v2  }
0x61: {  	v2 =	vld [tilespmem:s24+$0xFFFFFFC0];
	[tilespmem:s22+$0xFFFFFFE0] =	vst v3  }
0x62: {  	v3 =	vld [tilespmem:s24+$0xFFFFFFD0];
	[tilespmem:s22+$0xFFFFFFF0] =	vst v5  }
0x63: {  	v5 =	vld [tilespmem:s24+$0xFFFFFFE0];
	[tilespmem:s22+$0xFFFFFF90] =	vst v7  }
0x64: {  	v7 =	vld [tilespmem:s24+$0xFFFFFFF0]  }
0x65: {  	v9 =	vld [tilespmem:s24+$0xFFFFFF90]  }
0x66: {  	v8 =	vld.idx.msk [tilespmem:v8+s13+$0x0], $0xffff  }
0x67: {  	v10 =	vld.idx.msk [tilespmem:v6+s13+$0x0], $0xffff  }
0x68: {  	v6 =	vld.idx.msk [tilespmem:v4+s13+$0x0], $0xffff  }
.Ltmp2:
0x69: {  	v4 =	vld.idx.msk [tilespmem:v2+s13+$0x0], $0xffff;
	(pc) =	sbr.rel @p1 .LBB2_6-.Ltmp2, $4  }
0x6a: {  	v2 =	vld.idx.msk [tilespmem:v3+s13+$0x0], $0xffff  }
0x6b: {  	s22 =	sadd.s32 $0x80, s22;
	v3 =	vld.idx.msk [tilespmem:v5+s13+$0x0], $0xffff  }
0x6c: {  	v5 =	vld.idx.msk [tilespmem:v7+s13+$0x0], $0xffff;
	[tilespmem:s22+$0x0] =	vst v8  }
0x6d: {  	s24 =	sadd.s32 $0x80, s24;
	v7 =	vld.idx.msk [tilespmem:v9+s13+$0x0], $0xffff;
	[tilespmem:s22+$0xFFFFFFA0] =	vst v10  }
0x6e: {  	[tilespmem:s22+$0xFFFFFFB0] =	vst v6  }
0x6f: {  	[tilespmem:s22+$0xFFFFFFC0] =	vst v4  }
0x70: {  	[tilespmem:s22+$0xFFFFFFD0] =	vst v2  }
0x71: {  	[tilespmem:s22+$0xFFFFFFE0] =	vst v3  }
0x72: {  	[tilespmem:s22+$0xFFFFFFF0] =	vst v5  }
0x73: {  	[tilespmem:s22+$0xFFFFFF90] =	vst v7  }
.LBB2_8:
0x74: {  	v2 =	vld [tilespmem:s21+$0x0];
	_ =	sdelay $0x6  }
0x75: {  	s19 =	sadd.s32 $0x10, s19  }
0x76: {  	p1 =	slt.u32 s19, $0xC30;
	v2 =	vld.idx.msk [tilespmem:v2+s13+$0x0], $0xffff  }
.Ltmp3:
0x77: {  	_ = 	snop;
	(pc) =	sbr.rel @p1 .LBB2_8-.Ltmp3, $2  }
0x78: {  	_ =	sdelay $0x2  }
0x79: {  	s21 =	sadd.s32 $0x10, s21;
	[tilespmem:s20+$0x0] =	vst v2;
	s20 =	sadd.s32 $0x10, s20  }
0x7a: {  	[hbm4b:s8+s3] =	stream.linear.scatter [tilespmem:s16], [sflag:$0x5], $0x620, $0x38;
	[tilespmem:$0x1A00] =	vst v63  }
0x7b: {  	s19 =	simm.s32 @p0 $0x4  }
0x7c: {  	_ =	swait.ge @p0 [sflag:s19], $0x4C0  }
0x7d: {  	[sflag:s19] =	ssyncset.done @p0 $0x0  }
0x7e: {  	s18 =	sadd.s32 $0x1, s18;
	[sflag:s19] =	ssyncadd.s32 @p0 $0xFFFFFB40;
	s19 =	simm.s32 @!p0 $0x4  }
0x7f: {  	p1 =	sne.s32 s18, s9;
	_ =	swait.ge @!p0 [sflag:s19], $0x620  }
.Ltmp4:
0x80: {  	[sflag:s19] =	ssyncset.done @!p0 $0x0;
	(pc) =	sbr.rel @p1 .LBB2_1-.Ltmp4, $4  }
0x81: {  	[sflag:s19] =	ssyncadd.s32 @!p0 $0xFFFFF9E0  }
0x82: {  	_ =	swait.ge [sflag:s17], $0x620  }
0x83: {  	[sflag:s17] =	ssyncset.done $0x0  }
0x84: {  	[sflag:s17] =	ssyncadd.s32 $0xFFFFF9E0  }
0x85: {  	_ =	sfence.sel $0x180000  }
0x86: {  	[bflag:$0x0] =	sbarrier.arrive $0xFFFF  }
0x87: {  	p0 =	sne.s32 s0, $0x0;
	_ =	strace $0x90000047  }
0x88: {  	s0 =	sadd.s32 @!p0 $0x100000, s1;
	[bflag:$0x2] =	sbarrier.arrive $0xFFFF  }
0x89: {  	[sflag:s0] =	ssyncadd.tile.s32 @!p0 $0x1;
	_ =	shalt  }
.Lfunc_end2:
_tile_overlayer_lowered:
.L_overlay_start_2:
0x8a: {  	(tag) =	ssettag $0x2  }
0x8b: {  	s0 =	rddreg [dreg:$0x0];
	s2 =	stileid.u32  }
0x8c: {  	s1 =	rddreg [dreg:$0x1];
	p0 =	sne.s32 s2, $0x0  }
0x8d: {  	s3 =	rddreg [dreg:$0x2];
	[bflag:$0x3] =	sbarrier.arrive $0xFFFF;
	s2 =	simm.s32 @!p0 $0x1C06  }
0x8e: {  	[timem:s3], [sflag:s2] =	dma.local @!p0 [hbm:s0], s1  }
0x8f: {  	s0 =	simm.s32 @!p0 $0x6  }
0x90: {  	_ =	swait.ge @!p0 [sflag:s0], s1  }
0x91: {  	s1 =	ssub.s32 @!p0 $0x0, s1;
	[sflag:s0] =	ssyncset.done @!p0 $0x0  }
0x92: {  	[sflag:s0] =	ssyncadd.s32 @!p0 s1  }
0x93: {  	[bflag:$0x3] =	sbarrier.arrive $0xFFFF  }
0x94: {  	_ =	shalt  }

</sc_bundles>
